<compile_context>
chip_gen: v7x
topology: tpu7x:2x2x1
jax: 0.10.2.dev20260603
libtpu: 0.0.44.dev20260713+nightly
codegen_flags: <defaults>
</compile_context>

<pallas_src>
import functools

import jax
import jax.numpy as jnp
import numpy as np
from jax import lax
from jax.experimental import pallas as pl
from jax.experimental.pallas import tpu as pltpu
from jax.experimental.pallas import tpu_sc as plsc

_EPS = float(np.finfo(np.float32).eps)
_K = 8192
_R = 1024
_C = 1024
_NC = 2
_NS = 16
_NW = _NC * _NS
_ROWS_W = _R // _NW
_LANES = 16
_VECS_ROW = _C // _LANES


def _sc_hist(quant_info):
    mesh = plsc.VectorSubcoreMesh(core_axis_name="c", subcore_axis_name="s")

    @functools.partial(
        pl.kernel,
        out_type=jax.ShapeDtypeStruct((_NW, _K), jnp.int32),
        mesh=mesh,
        scratch_types=[
            pltpu.VMEM((_ROWS_W, _C), jnp.int32),
            pltpu.VMEM((_K,), jnp.int32),
            [pltpu.SemaphoreType.DMA] * 4,
        ],
        compiler_params=pltpu.CompilerParams(
            needs_layout_passes=False, disable_bounds_checks=True),
    )
    def hist_kernel(idx_hbm, out_hbm, idx_v, hist_v, sems):
        wid = lax.axis_index("s") * _NC + lax.axis_index("c")
        base = wid * _ROWS_W
        chunk = _ROWS_W // 4

        copies = [
            pltpu.async_copy(
                idx_hbm.at[pl.ds(base + c * chunk, chunk)],
                idx_v.at[pl.ds(c * chunk, chunk)],
                sems[c],
            )
            for c in range(4)
        ]

        zeros = jnp.zeros((_LANES,), jnp.int32)

        @plsc.parallel_loop(0, _K // _LANES, unroll=8)
        def _(i):
            hist_v[pl.ds(i * _LANES, _LANES)] = zeros

        ones = jnp.ones((_LANES,), jnp.int32)
        vecs_chunk = chunk * _VECS_ROW

        for c in range(4):
            copies[c].wait()

            @plsc.parallel_loop(c * vecs_chunk, (c + 1) * vecs_chunk, unroll=16)
            def _(i):
                r = i >> 6
                j = i & (_VECS_ROW - 1)
                v = idx_v[r, pl.ds(j * _LANES, _LANES)]
                plsc.addupdate_scatter(hist_v, [v], ones)

        pltpu.sync_copy(hist_v, out_hbm.at[wid])

    return hist_kernel(quant_info)


def _tc_entropy(parts):
    def body(parts_ref, out_ref):
        x = parts_ref[...].astype(jnp.float32)
        counts = jnp.sum(x, axis=0, keepdims=True)
        total = jnp.sum(counts)
        p = counts / total
        ent = -jnp.sum(p * jnp.log(p + _EPS))
        out_ref[0, 0] = jnp.exp(ent)

    return pl.pallas_call(
        body,
        out_shape=jax.ShapeDtypeStruct((1, 1), jnp.float32),
        out_specs=pl.BlockSpec(memory_space=pltpu.SMEM),
    )(parts)


def kernel(quant_info, iteration):
    parts = _sc_hist(quant_info)
    perp = _tc_entropy(parts)
    return perp[0, 0]

# --- scband reference (transcript-rebuilt; emitter-appended) ---
"""Pipeline reference for scband-code-usage-metric-18897856102436 (READ-ONLY COPY).

The authoritative reference and input builder live on the scoring server;
editing this copy changes nothing except your own understanding.
"""

import jax, jax.numpy as jnp
import numpy as np

_FLOAT32_EPS = float(np.finfo(np.float32).eps)
_CODEBOOK_SIZE = 8192


def setup_inputs(seed: int = 0) -> dict:
    key = jax.random.key(seed)
    quant_info = jax.random.randint(key, (1024, 1024), 0, _CODEBOOK_SIZE, dtype=jnp.int32)
    return {"quant_info": quant_info, "iteration": 1000}


def reference(quant_info, iteration):
    # code_indices = output_batch['quant_info']
    code_indices = quant_info.reshape(-1).astype(jnp.int32)
    usage_counts = jnp.bincount(code_indices, minlength=_CODEBOOK_SIZE, length=_CODEBOOK_SIZE)
    total_usage = usage_counts.sum().astype(jnp.float32)
    usage_probs = usage_counts.astype(jnp.float32) / total_usage
    entropy = -jnp.sum(usage_probs * jnp.log(usage_probs + _FLOAT32_EPS))
    perplexity = jnp.exp(entropy)
    return perplexity.astype(jnp.float32)

if __name__ == "__main__":
    import jax
    _d = setup_inputs()
    print(jax.jit(kernel)(*tuple(_d.values())))

</pallas_src>

<mosaic_0001>
#map = affine_map<(d0, d1) -> (0, 0)>
module attributes {stable_mosaic.version = 14 : i64} {
  func.func @hist_kernel(%arg0: i32, %arg1: i32, %arg2: memref<1024x1024xi32, #tpu.memory_space<hbm>>, %arg3: memref<32x8192xi32, #tpu.memory_space<hbm>>, %arg4: memref<32x1024xi32, #tpu.memory_space<vmem>>, %arg5: memref<8192xi32, #tpu.memory_space<vmem>>, %arg6: memref<!tpu.dma_semaphore, #tpu.memory_space<semaphore_mem>>, %arg7: memref<!tpu.dma_semaphore, #tpu.memory_space<semaphore_mem>>, %arg8: memref<!tpu.dma_semaphore, #tpu.memory_space<semaphore_mem>>, %arg9: memref<!tpu.dma_semaphore, #tpu.memory_space<semaphore_mem>>) attributes {dimension_semantics = [#tpu.dimension_semantics<core_parallel>, #tpu.dimension_semantics<subcore_parallel>], iteration_bounds = array<i64: 2, 16>, scalar_prefetch = 0 : i64, scratch_operands = 6 : i64, tpu.core_type = #tpu.core_type<sc_vector_subcore>, window_params = [{transform_indices = #map}, {transform_indices = #map}]} {
    %mul3A = arith.constant 2 : i32
    %mul3A_0 = arith.muli %arg1, %mul3A : i32
    %add3A = arith.addi %mul3A_0, %arg0 : i32
    %mul3A_1 = arith.constant 32 : i32
    %mul3A_2 = arith.muli %add3A, %mul3A_1 : i32
    %add3A_3 = arith.constant 0 : i32
    %add3A_4 = arith.addi %mul3A_2, %add3A_3 : i32
    %dma_start3A = arith.constant 0 : i32
    %dma_start3A_5 = arith.constant 0 : i32
    %dma_start3A_6 = tpu.memref_slice %arg4[%dma_start3A, %dma_start3A_5] : memref<32x1024xi32, #tpu.memory_space<vmem>> -> memref<8x1024xi32, #tpu.memory_space<vmem>>
    %dma_start3A_7 = arith.constant 0 : i32
    %dma_start3A_8 = tpu.memref_slice %arg2[%add3A_4, %dma_start3A_7] : memref<1024x1024xi32, #tpu.memory_space<hbm>> -> memref<8x1024xi32, #tpu.memory_space<hbm>>
    %dma_start3A_9 = arith.constant 0 : i32
    %dma_start3A_10 = arith.constant 0 : i32
    %dma_start3A_11 = tpu.memref_slice %arg4[%dma_start3A_9, %dma_start3A_10] : memref<32x1024xi32, #tpu.memory_space<vmem>> -> memref<8x1024xi32, #tpu.memory_space<vmem>>
    %dma_start3A_12 = arith.constant 0 : i32
    %dma_start3A_13 = tpu.memref_slice %arg2[%add3A_4, %dma_start3A_12] : memref<1024x1024xi32, #tpu.memory_space<hbm>> -> memref<8x1024xi32, #tpu.memory_space<hbm>>
    tpu.enqueue_dma source(%dma_start3A_13 : memref<8x1024xi32, #tpu.memory_space<hbm>>) target(%dma_start3A_11 : memref<8x1024xi32, #tpu.memory_space<vmem>>) target_semaphore(%arg6 : memref<!tpu.dma_semaphore, #tpu.memory_space<semaphore_mem>>)
    %add3A_14 = arith.constant 8 : i32
    %add3A_15 = arith.addi %mul3A_2, %add3A_14 : i32
    %dma_start3A_16 = arith.constant 8 : i32
    %dma_start3A_17 = arith.constant 0 : i32
    %dma_start3A_18 = tpu.memref_slice %arg4[%dma_start3A_16, %dma_start3A_17] : memref<32x1024xi32, #tpu.memory_space<vmem>> -> memref<8x1024xi32, #tpu.memory_space<vmem>>
    %dma_start3A_19 = arith.constant 0 : i32
    %dma_start3A_20 = tpu.memref_slice %arg2[%add3A_15, %dma_start3A_19] : memref<1024x1024xi32, #tpu.memory_space<hbm>> -> memref<8x1024xi32, #tpu.memory_space<hbm>>
    %dma_start3A_21 = arith.constant 8 : i32
    %dma_start3A_22 = arith.constant 0 : i32
    %dma_start3A_23 = tpu.memref_slice %arg4[%dma_start3A_21, %dma_start3A_22] : memref<32x1024xi32, #tpu.memory_space<vmem>> -> memref<8x1024xi32, #tpu.memory_space<vmem>>
    %dma_start3A_24 = arith.constant 0 : i32
    %dma_start3A_25 = tpu.memref_slice %arg2[%add3A_15, %dma_start3A_24] : memref<1024x1024xi32, #tpu.memory_space<hbm>> -> memref<8x1024xi32, #tpu.memory_space<hbm>>
    tpu.enqueue_dma source(%dma_start3A_25 : memref<8x1024xi32, #tpu.memory_space<hbm>>) target(%dma_start3A_23 : memref<8x1024xi32, #tpu.memory_space<vmem>>) target_semaphore(%arg7 : memref<!tpu.dma_semaphore, #tpu.memory_space<semaphore_mem>>)
    %add3A_26 = arith.constant 16 : i32
    %add3A_27 = arith.addi %mul3A_2, %add3A_26 : i32
    %dma_start3A_28 = arith.constant 16 : i32
    %dma_start3A_29 = arith.constant 0 : i32
    %dma_start3A_30 = tpu.memref_slice %arg4[%dma_start3A_28, %dma_start3A_29] : memref<32x1024xi32, #tpu.memory_space<vmem>> -> memref<8x1024xi32, #tpu.memory_space<vmem>>
    %dma_start3A_31 = arith.constant 0 : i32
    %dma_start3A_32 = tpu.memref_slice %arg2[%add3A_27, %dma_start3A_31] : memref<1024x1024xi32, #tpu.memory_space<hbm>> -> memref<8x1024xi32, #tpu.memory_space<hbm>>
    %dma_start3A_33 = arith.constant 16 : i32
    %dma_start3A_34 = arith.constant 0 : i32
    %dma_start3A_35 = tpu.memref_slice %arg4[%dma_start3A_33, %dma_start3A_34] : memref<32x1024xi32, #tpu.memory_space<vmem>> -> memref<8x1024xi32, #tpu.memory_space<vmem>>
    %dma_start3A_36 = arith.constant 0 : i32
    %dma_start3A_37 = tpu.memref_slice %arg2[%add3A_27, %dma_start3A_36] : memref<1024x1024xi32, #tpu.memory_space<hbm>> -> memref<8x1024xi32, #tpu.memory_space<hbm>>
    tpu.enqueue_dma source(%dma_start3A_37 : memref<8x1024xi32, #tpu.memory_space<hbm>>) target(%dma_start3A_35 : memref<8x1024xi32, #tpu.memory_space<vmem>>) target_semaphore(%arg8 : memref<!tpu.dma_semaphore, #tpu.memory_space<semaphore_mem>>)
    %add3A_38 = arith.constant 24 : i32
    %add3A_39 = arith.addi %mul3A_2, %add3A_38 : i32
    %dma_start3A_40 = arith.constant 24 : i32
    %dma_start3A_41 = arith.constant 0 : i32
    %dma_start3A_42 = tpu.memref_slice %arg4[%dma_start3A_40, %dma_start3A_41] : memref<32x1024xi32, #tpu.memory_space<vmem>> -> memref<8x1024xi32, #tpu.memory_space<vmem>>
    %dma_start3A_43 = arith.constant 0 : i32
    %dma_start3A_44 = tpu.memref_slice %arg2[%add3A_39, %dma_start3A_43] : memref<1024x1024xi32, #tpu.memory_space<hbm>> -> memref<8x1024xi32, #tpu.memory_space<hbm>>
    %dma_start3A_45 = arith.constant 24 : i32
    %dma_start3A_46 = arith.constant 0 : i32
    %dma_start3A_47 = tpu.memref_slice %arg4[%dma_start3A_45, %dma_start3A_46] : memref<32x1024xi32, #tpu.memory_space<vmem>> -> memref<8x1024xi32, #tpu.memory_space<vmem>>
    %dma_start3A_48 = arith.constant 0 : i32
    %dma_start3A_49 = tpu.memref_slice %arg2[%add3A_39, %dma_start3A_48] : memref<1024x1024xi32, #tpu.memory_space<hbm>> -> memref<8x1024xi32, #tpu.memory_space<hbm>>
    tpu.enqueue_dma source(%dma_start3A_49 : memref<8x1024xi32, #tpu.memory_space<hbm>>) target(%dma_start3A_47 : memref<8x1024xi32, #tpu.memory_space<vmem>>) target_semaphore(%arg9 : memref<!tpu.dma_semaphore, #tpu.memory_space<semaphore_mem>>)
    %broadcast_in_dim3A = arith.constant 0 : i32
    %broadcast_in_dim3A_50 = vector.broadcast %broadcast_in_dim3A : i32 to vector<16xi32>
    %parallel_loop3A = arith.constant 0 : i32
    %parallel_loop3A_51 = arith.constant 512 : i32
    %parallel_loop3A_52 = arith.constant 1 : i32
    scf.for %parallel_loop3A_106 = %parallel_loop3A to %parallel_loop3A_51 step %parallel_loop3A_52  : i32 {
      %parallel_loop3A_107 = arith.constant 16 : i32
      %parallel_loop3A_108 = arith.muli %parallel_loop3A_106, %parallel_loop3A_107 : i32
      %parallel_loop3A_109 = arith.index_cast %parallel_loop3A_108 : i32 to index
      %parallel_loop3A_110 = tpu.vector_load %arg5[%parallel_loop3A_109] {strides = array<i32>} : memref<8192xi32, #tpu.memory_space<vmem>>, vector<16xi32>,
      tpu.vector_store %arg5[%parallel_loop3A_109], %broadcast_in_dim3A_50 {strides = array<i32>} : memref<8192xi32, #tpu.memory_space<vmem>>, vector<16xi32>,
    } {sc.loop_unroll_factor = 8 : i64, sc.parallel_access}
    %broadcast_in_dim3A_53 = arith.constant 1 : i32
    %broadcast_in_dim3A_54 = vector.broadcast %broadcast_in_dim3A_53 : i32 to vector<16xi32>
    %dma_wait3A = arith.constant 0 : i32
    %dma_wait3A_55 = arith.constant 0 : i32
    %dma_wait3A_56 = tpu.memref_slice %arg4[%dma_wait3A, %dma_wait3A_55] : memref<32x1024xi32, #tpu.memory_space<vmem>> -> memref<8x1024xi32, #tpu.memory_space<vmem>>
    %dma_wait3A_57 = arith.constant 0 : i32
    %dma_wait3A_58 = tpu.memref_slice %arg2[%add3A_4, %dma_wait3A_57] : memref<1024x1024xi32, #tpu.memory_space<hbm>> -> memref<8x1024xi32, #tpu.memory_space<hbm>>
    %dma_wait3A_59 = arith.constant 0 : i32
    %dma_wait3A_60 = arith.constant 0 : i32
    %dma_wait3A_61 = tpu.memref_slice %arg4[%dma_wait3A_59, %dma_wait3A_60] : memref<32x1024xi32, #tpu.memory_space<vmem>> -> memref<8x1024xi32, #tpu.memory_space<vmem>>
    %dma_wait3A_62 = arith.constant 0 : i32
    %dma_wait3A_63 = tpu.memref_slice %arg2[%add3A_4, %dma_wait3A_62] : memref<1024x1024xi32, #tpu.memory_space<hbm>> -> memref<8x1024xi32, #tpu.memory_space<hbm>>
    tpu.wait_dma2 semaphore(%arg6 : memref<!tpu.dma_semaphore, #tpu.memory_space<semaphore_mem>>) src(%dma_wait3A_63 : memref<8x1024xi32, #tpu.memory_space<hbm>>) dst(%dma_wait3A_61 : memref<8x1024xi32, #tpu.memory_space<vmem>>)
    %parallel_loop3A_64 = arith.constant 0 : i32
    %parallel_loop3A_65 = arith.constant 512 : i32
    %parallel_loop3A_66 = arith.constant 1 : i32
    scf.for %parallel_loop3A_106 = %parallel_loop3A_64 to %parallel_loop3A_65 step %parallel_loop3A_66  : i32 {
      %parallel_loop3A_107 = arith.constant 6 : i32
      %parallel_loop3A_108 = arith.shrsi %parallel_loop3A_106, %parallel_loop3A_107 : i32
      %parallel_loop3A_109 = arith.constant 63 : i32
      %parallel_loop3A_110 = arith.andi %parallel_loop3A_106, %parallel_loop3A_109 : i32
      %parallel_loop3A_111 = arith.constant 16 : i32
      %parallel_loop3A_112 = arith.muli %parallel_loop3A_110, %parallel_loop3A_111 : i32
      %parallel_loop3A_113 = arith.index_cast %parallel_loop3A_108 : i32 to index
      %parallel_loop3A_114 = arith.index_cast %parallel_loop3A_112 : i32 to index
      %parallel_loop3A_115 = tpu.vector_load %arg4[%parallel_loop3A_113, %parallel_loop3A_114] {strides = array<i32>} : memref<32x1024xi32, #tpu.memory_space<vmem>>, vector<16xi32>,
      tpu.vector_store_idx %arg5[%parallel_loop3A_115], %broadcast_in_dim3A_54 {add = true} : memref<8192xi32, #tpu.memory_space<vmem>>[vector<16xi32>], vector<16xi32>,
    } {sc.loop_unroll_factor = 16 : i64, sc.parallel_access}
    %dma_wait3A_67 = arith.constant 8 : i32
    %dma_wait3A_68 = arith.constant 0 : i32
    %dma_wait3A_69 = tpu.memref_slice %arg4[%dma_wait3A_67, %dma_wait3A_68] : memref<32x1024xi32, #tpu.memory_space<vmem>> -> memref<8x1024xi32, #tpu.memory_space<vmem>>
    %dma_wait3A_70 = arith.constant 0 : i32
    %dma_wait3A_71 = tpu.memref_slice %arg2[%add3A_15, %dma_wait3A_70] : memref<1024x1024xi32, #tpu.memory_space<hbm>> -> memref<8x1024xi32, #tpu.memory_space<hbm>>
    %dma_wait3A_72 = arith.constant 8 : i32
    %dma_wait3A_73 = arith.constant 0 : i32
    %dma_wait3A_74 = tpu.memref_slice %arg4[%dma_wait3A_72, %dma_wait3A_73] : memref<32x1024xi32, #tpu.memory_space<vmem>> -> memref<8x1024xi32, #tpu.memory_space<vmem>>
    %dma_wait3A_75 = arith.constant 0 : i32
    %dma_wait3A_76 = tpu.memref_slice %arg2[%add3A_15, %dma_wait3A_75] : memref<1024x1024xi32, #tpu.memory_space<hbm>> -> memref<8x1024xi32, #tpu.memory_space<hbm>>
    tpu.wait_dma2 semaphore(%arg7 : memref<!tpu.dma_semaphore, #tpu.memory_space<semaphore_mem>>) src(%dma_wait3A_76 : memref<8x1024xi32, #tpu.memory_space<hbm>>) dst(%dma_wait3A_74 : memref<8x1024xi32, #tpu.memory_space<vmem>>)
    %parallel_loop3A_77 = arith.constant 512 : i32
    %parallel_loop3A_78 = arith.constant 1024 : i32
    %parallel_loop3A_79 = arith.constant 1 : i32
    scf.for %parallel_loop3A_106 = %parallel_loop3A_77 to %parallel_loop3A_78 step %parallel_loop3A_79  : i32 {
      %parallel_loop3A_107 = arith.constant 6 : i32
      %parallel_loop3A_108 = arith.shrsi %parallel_loop3A_106, %parallel_loop3A_107 : i32
      %parallel_loop3A_109 = arith.constant 63 : i32
      %parallel_loop3A_110 = arith.andi %parallel_loop3A_106, %parallel_loop3A_109 : i32
      %parallel_loop3A_111 = arith.constant 16 : i32
      %parallel_loop3A_112 = arith.muli %parallel_loop3A_110, %parallel_loop3A_111 : i32
      %parallel_loop3A_113 = arith.index_cast %parallel_loop3A_108 : i32 to index
      %parallel_loop3A_114 = arith.index_cast %parallel_loop3A_112 : i32 to index
      %parallel_loop3A_115 = tpu.vector_load %arg4[%parallel_loop3A_113, %parallel_loop3A_114] {strides = array<i32>} : memref<32x1024xi32, #tpu.memory_space<vmem>>, vector<16xi32>,
      tpu.vector_store_idx %arg5[%parallel_loop3A_115], %broadcast_in_dim3A_54 {add = true} : memref<8192xi32, #tpu.memory_space<vmem>>[vector<16xi32>], vector<16xi32>,
    } {sc.loop_unroll_factor = 16 : i64, sc.parallel_access}
    %dma_wait3A_80 = arith.constant 16 : i32
    %dma_wait3A_81 = arith.constant 0 : i32
    %dma_wait3A_82 = tpu.memref_slice %arg4[%dma_wait3A_80, %dma_wait3A_81] : memref<32x1024xi32, #tpu.memory_space<vmem>> -> memref<8x1024xi32, #tpu.memory_space<vmem>>
    %dma_wait3A_83 = arith.constant 0 : i32
    %dma_wait3A_84 = tpu.memref_slice %arg2[%add3A_27, %dma_wait3A_83] : memref<1024x1024xi32, #tpu.memory_space<hbm>> -> memref<8x1024xi32, #tpu.memory_space<hbm>>
    %dma_wait3A_85 = arith.constant 16 : i32
    %dma_wait3A_86 = arith.constant 0 : i32
    %dma_wait3A_87 = tpu.memref_slice %arg4[%dma_wait3A_85, %dma_wait3A_86] : memref<32x1024xi32, #tpu.memory_space<vmem>> -> memref<8x1024xi32, #tpu.memory_space<vmem>>
    %dma_wait3A_88 = arith.constant 0 : i32
    %dma_wait3A_89 = tpu.memref_slice %arg2[%add3A_27, %dma_wait3A_88] : memref<1024x1024xi32, #tpu.memory_space<hbm>> -> memref<8x1024xi32, #tpu.memory_space<hbm>>
    tpu.wait_dma2 semaphore(%arg8 : memref<!tpu.dma_semaphore, #tpu.memory_space<semaphore_mem>>) src(%dma_wait3A_89 : memref<8x1024xi32, #tpu.memory_space<hbm>>) dst(%dma_wait3A_87 : memref<8x1024xi32, #tpu.memory_space<vmem>>)
    %parallel_loop3A_90 = arith.constant 1024 : i32
    %parallel_loop3A_91 = arith.constant 1536 : i32
    %parallel_loop3A_92 = arith.constant 1 : i32
    scf.for %parallel_loop3A_106 = %parallel_loop3A_90 to %parallel_loop3A_91 step %parallel_loop3A_92  : i32 {
      %parallel_loop3A_107 = arith.constant 6 : i32
      %parallel_loop3A_108 = arith.shrsi %parallel_loop3A_106, %parallel_loop3A_107 : i32
      %parallel_loop3A_109 = arith.constant 63 : i32
      %parallel_loop3A_110 = arith.andi %parallel_loop3A_106, %parallel_loop3A_109 : i32
      %parallel_loop3A_111 = arith.constant 16 : i32
      %parallel_loop3A_112 = arith.muli %parallel_loop3A_110, %parallel_loop3A_111 : i32
      %parallel_loop3A_113 = arith.index_cast %parallel_loop3A_108 : i32 to index
      %parallel_loop3A_114 = arith.index_cast %parallel_loop3A_112 : i32 to index
      %parallel_loop3A_115 = tpu.vector_load %arg4[%parallel_loop3A_113, %parallel_loop3A_114] {strides = array<i32>} : memref<32x1024xi32, #tpu.memory_space<vmem>>, vector<16xi32>,
      tpu.vector_store_idx %arg5[%parallel_loop3A_115], %broadcast_in_dim3A_54 {add = true} : memref<8192xi32, #tpu.memory_space<vmem>>[vector<16xi32>], vector<16xi32>,
    } {sc.loop_unroll_factor = 16 : i64, sc.parallel_access}
    %dma_wait3A_93 = arith.constant 24 : i32
    %dma_wait3A_94 = arith.constant 0 : i32
    %dma_wait3A_95 = tpu.memref_slice %arg4[%dma_wait3A_93, %dma_wait3A_94] : memref<32x1024xi32, #tpu.memory_space<vmem>> -> memref<8x1024xi32, #tpu.memory_space<vmem>>
    %dma_wait3A_96 = arith.constant 0 : i32
    %dma_wait3A_97 = tpu.memref_slice %arg2[%add3A_39, %dma_wait3A_96] : memref<1024x1024xi32, #tpu.memory_space<hbm>> -> memref<8x1024xi32, #tpu.memory_space<hbm>>
    %dma_wait3A_98 = arith.constant 24 : i32
    %dma_wait3A_99 = arith.constant 0 : i32
    %dma_wait3A_100 = tpu.memref_slice %arg4[%dma_wait3A_98, %dma_wait3A_99] : memref<32x1024xi32, #tpu.memory_space<vmem>> -> memref<8x1024xi32, #tpu.memory_space<vmem>>
    %dma_wait3A_101 = arith.constant 0 : i32
    %dma_wait3A_102 = tpu.memref_slice %arg2[%add3A_39, %dma_wait3A_101] : memref<1024x1024xi32, #tpu.memory_space<hbm>> -> memref<8x1024xi32, #tpu.memory_space<hbm>>
    tpu.wait_dma2 semaphore(%arg9 : memref<!tpu.dma_semaphore, #tpu.memory_space<semaphore_mem>>) src(%dma_wait3A_102 : memref<8x1024xi32, #tpu.memory_space<hbm>>) dst(%dma_wait3A_100 : memref<8x1024xi32, #tpu.memory_space<vmem>>)
    %parallel_loop3A_103 = arith.constant 1536 : i32
    %parallel_loop3A_104 = arith.constant 2048 : i32
    %parallel_loop3A_105 = arith.constant 1 : i32
    scf.for %parallel_loop3A_106 = %parallel_loop3A_103 to %parallel_loop3A_104 step %parallel_loop3A_105  : i32 {
      %parallel_loop3A_107 = arith.constant 6 : i32
      %parallel_loop3A_108 = arith.shrsi %parallel_loop3A_106, %parallel_loop3A_107 : i32
      %parallel_loop3A_109 = arith.constant 63 : i32
      %parallel_loop3A_110 = arith.andi %parallel_loop3A_106, %parallel_loop3A_109 : i32
      %parallel_loop3A_111 = arith.constant 16 : i32
      %parallel_loop3A_112 = arith.muli %parallel_loop3A_110, %parallel_loop3A_111 : i32
      %parallel_loop3A_113 = arith.index_cast %parallel_loop3A_108 : i32 to index
      %parallel_loop3A_114 = arith.index_cast %parallel_loop3A_112 : i32 to index
      %parallel_loop3A_115 = tpu.vector_load %arg4[%parallel_loop3A_113, %parallel_loop3A_114] {strides = array<i32>} : memref<32x1024xi32, #tpu.memory_space<vmem>>, vector<16xi32>,
      tpu.vector_store_idx %arg5[%parallel_loop3A_115], %broadcast_in_dim3A_54 {add = true} : memref<8192xi32, #tpu.memory_space<vmem>>[vector<16xi32>], vector<16xi32>,
    } {sc.loop_unroll_factor = 16 : i64, sc.parallel_access}
    "tpu.region"() ({
      %run_scoped3A = tpu.sem_alloc : memref<!tpu.dma_semaphore, #tpu.memory_space<semaphore_mem>>
      %dma_start3A_106 = arith.constant 0 : i32
      %dma_start3A_107 = tpu.memref_slice %arg3[%add3A, %dma_start3A_106] : memref<32x8192xi32, #tpu.memory_space<hbm>> -> memref<1x8192xi32, #tpu.memory_space<hbm>>
      %dma_start3A_108 = tpu.memref_squeeze %dma_start3A_107 : memref<1x8192xi32, #tpu.memory_space<hbm>> -> memref<8192xi32, #tpu.memory_space<hbm>>
      %dma_start3A_109 = arith.constant 0 : i32
      %dma_start3A_110 = tpu.memref_slice %arg3[%add3A, %dma_start3A_109] : memref<32x8192xi32, #tpu.memory_space<hbm>> -> memref<1x8192xi32, #tpu.memory_space<hbm>>
      %dma_start3A_111 = tpu.memref_squeeze %dma_start3A_110 : memref<1x8192xi32, #tpu.memory_space<hbm>> -> memref<8192xi32, #tpu.memory_space<hbm>>
      tpu.enqueue_dma source(%arg5 : memref<8192xi32, #tpu.memory_space<vmem>>) target(%dma_start3A_111 : memref<8192xi32, #tpu.memory_space<hbm>>) target_semaphore(%run_scoped3A : memref<!tpu.dma_semaphore, #tpu.memory_space<semaphore_mem>>)
      %dma_wait3A_112 = arith.constant 0 : i32
      %dma_wait3A_113 = tpu.memref_slice %arg3[%add3A, %dma_wait3A_112] : memref<32x8192xi32, #tpu.memory_space<hbm>> -> memref<1x8192xi32, #tpu.memory_space<hbm>>
      %dma_wait3A_114 = tpu.memref_squeeze %dma_wait3A_113 : memref<1x8192xi32, #tpu.memory_space<hbm>> -> memref<8192xi32, #tpu.memory_space<hbm>>
      %dma_wait3A_115 = arith.constant 0 : i32
      %dma_wait3A_116 = tpu.memref_slice %arg3[%add3A, %dma_wait3A_115] : memref<32x8192xi32, #tpu.memory_space<hbm>> -> memref<1x8192xi32, #tpu.memory_space<hbm>>
      %dma_wait3A_117 = tpu.memref_squeeze %dma_wait3A_116 : memref<1x8192xi32, #tpu.memory_space<hbm>> -> memref<8192xi32, #tpu.memory_space<hbm>>
      tpu.wait_dma2 semaphore(%run_scoped3A : memref<!tpu.dma_semaphore, #tpu.memory_space<semaphore_mem>>) src(%arg5 : memref<8192xi32, #tpu.memory_space<vmem>>) dst(%dma_wait3A_117 : memref<8192xi32, #tpu.memory_space<hbm>>)
      tpu.yield
    }) : () -> ()
    return
  }
}

module attributes {stable_mosaic.version = 14 : i64} {
  func.func @body(%arg0: memref<32x8192xi32, #tpu.memory_space<vmem>>, %arg1: memref<1x1xf32, #tpu.memory_space<smem>>) attributes {dimension_semantics = [], scalar_prefetch = 0 : i64, scratch_operands = 0 : i64, tpu.core_type = #tpu.core_type<tc>} {
    %get3A = arith.constant 0 : index
    %get3A_0 = arith.constant 0 : index
    %get3A_1 = vector.load %arg0[%get3A, %get3A_0] : memref<32x8192xi32, #tpu.memory_space<vmem>>, vector<32x8192xi32>
    %convert_element_type3A = arith.sitofp %get3A_1 : vector<32x8192xi32> to vector<32x8192xf32>
    %reduce_sum3A = arith.constant dense<0.000000e+00> : vector<8192xf32>
    %reduce_sum3A_2 = vector.multi_reduction <add>, %convert_element_type3A, %reduce_sum3A [0] : vector<32x8192xf32> to vector<8192xf32>
    %broadcast_in_dim3A = vector.shape_cast %reduce_sum3A_2 : vector<8192xf32> to vector<1x8192xf32>
    %reduce_sum3A_3 = vector.shape_cast %broadcast_in_dim3A : vector<1x8192xf32> to vector<1x1x8192xf32>
    %reduce_sum3A_4 = arith.constant dense<0.000000e+00> : vector<1xf32>
    %reduce_sum3A_5 = vector.multi_reduction <add>, %reduce_sum3A_3, %reduce_sum3A_4 [1, 2] : vector<1x1x8192xf32> to vector<1xf32>
    %reduce_sum3A_6 = vector.shape_cast %reduce_sum3A_5 : vector<1xf32> to vector<1x1x1xf32>
    %reduce_sum3A_7 = vector.extract %reduce_sum3A_6[0, 0, 0] : f32 from vector<1x1x1xf32>
    %div3A = vector.broadcast %reduce_sum3A_7 : f32 to vector<1x8192xf32>
    %div3A_8 = arith.divf %broadcast_in_dim3A, %div3A : vector<1x8192xf32>
    %add3A = arith.constant 1.1920929E-7 : f32
    %add3A_9 = vector.broadcast %add3A : f32 to vector<1x8192xf32>
    %add3A_10 = arith.addf %div3A_8, %add3A_9 : vector<1x8192xf32>
    %log3A = math.log %add3A_10 : vector<1x8192xf32>
    %mul3A = arith.mulf %div3A_8, %log3A : vector<1x8192xf32>
    %reduce_sum3A_11 = vector.shape_cast %mul3A : vector<1x8192xf32> to vector<1x1x8192xf32>
    %reduce_sum3A_12 = arith.constant dense<0.000000e+00> : vector<1xf32>
    %reduce_sum3A_13 = vector.multi_reduction <add>, %reduce_sum3A_11, %reduce_sum3A_12 [1, 2] : vector<1x1x8192xf32> to vector<1xf32>
    %reduce_sum3A_14 = vector.shape_cast %reduce_sum3A_13 : vector<1xf32> to vector<1x1x1xf32>
    %reduce_sum3A_15 = vector.extract %reduce_sum3A_14[0, 0, 0] : f32 from vector<1x1x1xf32>
    %neg3A = arith.constant 0.000000e+00 : f32
    %neg3A_16 = arith.subf %neg3A, %reduce_sum3A_15 : f32
    %exp3A = math.exp %neg3A_16 : f32
    %swap3A = arith.constant 0 : index
    %swap3A_17 = arith.constant 0 : index
    %swap3A_18 = memref.load %arg1[%swap3A, %swap3A_17] : memref<1x1xf32, #tpu.memory_space<smem>>
    memref.store %exp3A, %arg1[%swap3A, %swap3A_17] : memref<1x1xf32, #tpu.memory_space<smem>>
    return
  }
}

</mosaic_0001>

<sc_bundles>
// kernel: kernel.4.cloned.1.call-start
scs
__scs_entry_jumppad:
0x0: {  	(pc) =	sbr.rel $0x88, $3  }
0x1: {  	(tag) =	ssettag $0x0;
	lr =	simm.s32 $0x1  }
0x2: {  	[smem:$0x3FA0] =	sst lr;
	_ =	strace $0xD0000000  }
0x3: {  	_ = 	snop  }
0x4: {  	_ = 	snop  }
0x5: {  	_ = 	snop  }
0x6: {  	_ = 	snop  }
0x7: {  	_ = 	snop  }
__scs_overlays_trampoline_lowered:
0x8: {  	[smem:$0x3FAF] =	sst s0  }
0x9: {  	[smem:$0x3FB0] =	sst s1  }
0xa: {  	[smem:$0x3FB1] =	sst s2  }
0xb: {  	[smem:$0x3FB2] =	sst s3  }
0xc: {  	[smem:$0x3FB3] =	sst s4  }
0xd: {  	[smem:$0x3FB4] =	sst s5  }
0xe: {  	[smem:$0x3FB5] =	sst s6  }
0xf: {  	[smem:$0x3FB6] =	sst s7  }
0x10: {  	[smem:$0x3FB7] =	sst s8  }
0x11: {  	[smem:$0x3FB8] =	sst s9;
	s0 =	simm.s32 @!p0 $0x0  }
0x12: {  	s1 =	sld [smem:$0x3F9E];
	s0 =	simm.s32 @p0 $0x1  }
0x13: {  	[smem:$0x3FB9] =	sst s0;
	s0 =	simm.s32 @!p1 $0x0  }
0x14: {  	s2 =	sld [smem:$0x3F9D];
	s0 =	simm.s32 @p1 $0x1  }
0x15: {  	[smem:$0x3FBA] =	sst s0;
	s0 =	simm.s32 @!p2 $0x0  }
0x16: {  	s3 =	sld [smem:$0x3FDB];
	s0 =	simm.s32 @p2 $0x1  }
0x17: {  	s4 =	simm.s32 $0x1BF5;
	[smem:$0x3FBC] =	sst s0  }
0x18: {  	s0 =	sld [smem:$0x3F9F];
	_ =	swait.ge [sflag:s4], $0x0  }
0x19: {  	s7 =	sld [smem:$0x3FA0]  }
0x1a: {  	s8 =	sadd.s32 $0xFFFFE003, lr  }
0x1b: {  	s9 =	sadd.s32 $0xFFFFFEF7, lr;
	s5 =	simm.s32 $0xFFFFFFFF;
	p2 =	slt.u32 s8, $0xFFFFF086  }
0x1c: {  	p1 =	slt.u32 s9, $0xF7A;
	s5 =	simm.s32 @!p2 $0x0  }
0x1d: {  	s5 =	simm.s32 @p1 $0x1;
	p0 =	seq.s32 s7, s2  }
0x1e: {  	s7 =	smul.u32 @!p0 $0xF7A, s2;
	p2 =	seq.s32 @!p0 s5, $0x0  }
0x1f: {  	s9 =	smul.u32 $0xF7A, s1;
	s8 =	simm.s32 @!p0 $0x1BF5;
	p2 =	por !p2, p0  }
0x20: {  	[sflag:s8] =	ssyncset.s32 @!p0 $0xFFFFF086;
	s6 =	sadd.s32 @!p0 s3, s7;
	s7 =	simm.s32 @!p0 $0x108  }
0x21: {  	s3 =	sadd.s32 s3, s9;
	s6 =	sadd.s32 @!p0 $0x88, s6;
	s7 =	simm.s32 @p2 $0x1082  }
0x22: {  	[simem:s7], [sflag:s8] =	dma.local @!p0 [hbm:s6], $0xF7A  }
0x23: {  	s9 =	sor.u32 $0xD0000000, s2;
	s6 =	simm.s32 $0x108;
	_ =	swait.ge @!p0 [sflag:s8], $0x0  }
0x24: {  	s3 =	sadd.s32 $0x88, s3;
	s6 =	simm.s32 @!p1 $0x1082;
	[sflag:s4] =	ssyncset.s32 $0xFFFFF086  }
0x25: {  	[simem:s6], [sflag:s4] =	dma.local [hbm:s3], $0xF7A  }
0x26: {  	[smem:$0x3FA0] =	sst s1;
	(tag) =	ssettag s2;
	_ =	strace s9  }
0x27: {  	s1 =	sld [smem:$0x3FB0]  }
0x28: {  	s2 =	sld [smem:$0x3FB1]  }
0x29: {  	s4 =	sld [smem:$0x3FB3]  }
0x2a: {  	p0 =	seq.s32 s5, $0x0;
	s5 =	sld [smem:$0x3FB4]  }
0x2b: {  	s6 =	sld [smem:$0x3FB5]  }
0x2c: {  	s7 =	sld [smem:$0x3FB6]  }
0x2d: {  	s3 =	simm.s32 $0x108;
	s8 =	sld [smem:$0x3FB7]  }
0x2e: {  	s3 =	simm.s32 @!p0 $0x1082;
	s9 =	sld [smem:$0x3FB8]  }
0x2f: {  	lr =	sadd.s32 s0, s3;
	s0 =	sld [smem:$0x3FAF]  }
0x30: {  	s3 =	sld [smem:$0x3FB2]  }
0x31: {  	[smem:$0x3FBB] =	sst s10  }
0x32: {  	s10 =	sld [smem:$0x3FB9];
	_ =	sdelay $0x3  }
0x33: {  	p0 =	seq.s32 s10, $0x1;
	s10 =	sld [smem:$0x3FBB];
	_ =	sdelay $0x3  }
0x34: {  	[smem:$0x3FBB] =	sst s10  }
0x35: {  	s10 =	sld [smem:$0x3FBA];
	_ =	sdelay $0x3  }
0x36: {  	p1 =	seq.s32 s10, $0x1;
	s10 =	sld [smem:$0x3FBB];
	_ =	sdelay $0x3  }
0x37: {  	[smem:$0x3FBB] =	sst s10  }
0x38: {  	s10 =	sld [smem:$0x3FBC]  }
0x39: {  	_ = 	snop;
	(pc) =	sbr.ind lr, $3  }
0x3a: {  	_ = 	snop  }
0x3b: {  	_ = 	snop  }
0x3c: {  	p2 =	seq.s32 s10, $0x1;
	s10 =	sld [smem:$0x3FBB]  }
0x3d: {  	_ =	shalt  }
0x3e: {  	_ =	shalt  }
0x3f: {  	_ =	shalt  }
0x40: {  	_ =	shalt  }
0x41: {  	_ =	shalt  }
0x42: {  	_ =	shalt  }
0x43: {  	_ =	shalt  }
0x44: {  	_ =	shalt  }
0x45: {  	_ =	shalt  }
0x46: {  	_ =	shalt  }
0x47: {  	_ =	shalt  }
0x48: {  	_ =	shalt  }
0x49: {  	_ =	shalt  }
0x4a: {  	_ =	shalt  }
0x4b: {  	_ =	shalt  }
0x4c: {  	_ =	shalt  }
0x4d: {  	_ =	shalt  }
0x4e: {  	_ =	shalt  }
0x4f: {  	_ =	shalt  }
0x50: {  	_ =	shalt  }
0x51: {  	_ =	shalt  }
0x52: {  	_ =	shalt  }
0x53: {  	_ =	shalt  }
0x54: {  	_ =	shalt  }
0x55: {  	_ =	shalt  }
0x56: {  	_ =	shalt  }
0x57: {  	_ =	shalt  }
0x58: {  	_ =	shalt  }
0x59: {  	_ =	shalt  }
0x5a: {  	_ =	shalt  }
0x5b: {  	_ =	shalt  }
0x5c: {  	_ =	shalt  }
0x5d: {  	_ =	shalt  }
0x5e: {  	_ =	shalt  }
0x5f: {  	_ =	shalt  }
0x60: {  	_ =	shalt  }
0x61: {  	_ =	shalt  }
0x62: {  	_ =	shalt  }
0x63: {  	_ =	shalt  }
0x64: {  	_ =	shalt  }
0x65: {  	_ =	shalt  }
0x66: {  	_ =	shalt  }
0x67: {  	_ =	shalt  }
0x68: {  	_ =	shalt  }
0x69: {  	_ =	shalt  }
0x6a: {  	_ =	shalt  }
0x6b: {  	_ =	shalt  }
0x6c: {  	_ =	shalt  }
0x6d: {  	_ =	shalt  }
0x6e: {  	_ =	shalt  }
0x6f: {  	_ =	shalt  }
0x70: {  	_ =	shalt  }
0x71: {  	_ =	shalt  }
0x72: {  	_ =	shalt  }
0x73: {  	_ =	shalt  }
0x74: {  	_ =	shalt  }
0x75: {  	_ =	shalt  }
0x76: {  	_ =	shalt  }
0x77: {  	_ =	shalt  }
0x78: {  	_ =	shalt  }
0x79: {  	_ =	shalt  }
0x7a: {  	_ =	shalt  }
0x7b: {  	_ =	shalt  }
0x7c: {  	_ =	shalt  }
0x7d: {  	_ =	shalt  }
0x7e: {  	_ =	shalt  }
0x7f: {  	_ =	shalt  }
0x80: {  	_ =	shalt  }
0x81: {  	_ =	shalt  }
0x82: {  	_ =	shalt  }
0x83: {  	_ =	shalt  }
0x84: {  	_ =	shalt  }
0x85: {  	_ =	shalt  }
0x86: {  	_ =	shalt  }
0x87: {  	_ =	shalt  }
.Lfunc_end0:
.L_simem_size_0:
called_computation_lowered:
.L_overlay_start_0:
0x88: {  	s2 =	sld [smem:$0x3FD9]  }
0x89: {  	s3 =	sld [smem:$0x3FFE];
	_ =	sdelay $0x1  }
0x8a: {  	s1 =	srdreg.scid  }
0x8b: {  	s0 =	sand.u32 $0x1, s1  }
0x8c: {  	s17 =	sshll.u32 s0, $0xA;
	s2 =	sadd.s32 s3, s2  }
0x8d: {  	s2 =	sadd.s32 s2, s17  }
0x8e: {  	[smem:$0x3FC7] =	sst s2  }
0x8f: {  	_ = 	snop  }
0x90: {  	s2 =	sld [smem:$0x3FC9];
	(tm) =	ssettm $0x1  }
0x91: {  	s18 =	sld [smem:$0x3FFB];
	_ =	sdelay $0x3  }
0x92: {  	_ =	strace s18  }
0x93: {  	s3 =	sld [smem:$0x3FFC];
	_ =	sdelay $0x3  }
0x94: {  	_ =	strace s3  }
0x95: {  	s3 =	sld [smem:$0x3FFD];
	_ =	sdelay $0x3  }
0x96: {  	_ =	strace s3  }
0x97: {  	_ =	strace $0x8FFFFFFF  }
0x98: {  	s19 =	sld [smem:$0x3FDB];
	_ =	sdelay $0x1  }
0x99: {  	s4 =	simm.s32 $_scs_section_size  }
0x9a: {  	s5 =	simm.s32 $_size__tile_overlayer_lowered;
	s6 =	simm.s32 $_tile_overlayer_lowered  }
0x9b: {  	s22 =	simm.s32 $0x1BFF;
	s21 =	sshll.u32 s6, $0x1;
	s3 =	sadd.s32 s4, s19  }
0x9c: {  	s7 =	simm.s32 $0x0;
	s20 =	sshll.u32 s5, $0x1;
	s5 =	sadd.s32 s21, s3  }
0x9d: {  	[timem:s7], [sflag:s22] =	dma.local [hbm:s5], s20  }
0x9e: {  	_ =	swait.ge [sflag:s22], s20  }
0x9f: {  	s4 =	ssub.s32 $0x0, s20;
	[sflag:s22] =	ssyncset.done $0x0  }
0xa0: {  	[sflag:s22] =	ssyncadd.s32 s4;
	_ =	sdelay $0x1  }
0xa1: {  	s23 =	simm.s32 $0x1B8B  }
0xa2: {  	_ =	swait.ge [sflag:s23], $0x1  }
0xa3: {  	[sflag:s23] =	ssyncset.done $0x0  }
0xa4: {  	s25 =	simm.s32 $0x1B8E;
	s24 =	sld [smem:$0x3FFE];
	[sflag:s23] =	ssyncadd.s32 $0xFFFFFFFF  }
0xa5: {  	s26 =	simm.s32 $execute0_lowered;
	[smem:$0x3FD2] =	sst s25  }
0xa6: {  	s5 =	sshll.u32 s26, $0x1;
	_ =	strace $0x80000046;
	[dreg:$0x1] =	wrdreg $0xFFFFFFFF  }
0xa7: {  	s28 =	simm.s32 $_size_execute0_lowered;
	s3 =	sadd.s32 s3, s5;
	[dreg:$0x0] =	wrdreg $0x0  }
0xa8: {  	s5 =	sshll.u32 s28, $0x1;
	[dreg:$0x2] =	wrdreg s3  }
0xa9: {  	[dreg:$0x3] =	wrdreg s5  }
0xaa: {  	[dreg:$0x4] =	wrdreg $0xC0  }
0xab: {  	_ =	task [dreg:s7], $0x5FFFF  }
0xac: {  	[dreg:$0x1] =	wrdreg $0xFFFFFFFF  }
0xad: {  	[dreg:$0x0] =	wrdreg $0x60  }
0xae: {  	[dreg:$0x2] =	wrdreg s2  }
0xaf: {  	[dreg:$0x3] =	wrdreg s24  }
0xb0: {  	[dreg:$0x4] =	wrdreg $0x9  }
0xb1: {  	_ =	task.clear_ibuf [dreg:s7], $0x5FFFF;
	_ =	strace $0x90000046  }
0xb2: {  	s29 =	simm.s32 $0x9;
	_ =	strace $0x80000048  }
0xb3: {  	_ =	swait.ge [sflag:s29], $0x1  }
0xb4: {  	[sflag:s29] =	ssyncadd.s32 $0xFFFFFFFF  }
0xb5: {  	_ =	strace $0x90000048  }
0xb6: {  	_ =	sfence  }
0xb7: {  	s30 =	sld [smem:$0x0];
	_ =	sdelay $0x2  }
0xb8: {  	s31 =	sshll.u32 s1, $0xD;
	s1 =	sshrl.u32 s1, $0x2  }
0xb9: {  	s3 =	sand.u32 $0x4000, s31;
	s1 =	sadd.s32 s1, s30  }
0xba: {  	s0 =	sor.u32 s3, s0;
	s1 =	sshll.u32 s1, $0x11  }
0xbb: {  	s0 =	sor.u32 s1, s0  }
0xbc: {  	s0 =	sadd.s32 $0x8F2B, s0  }
0xbd: {  	[sflag:s0] =	ssyncadd.remote.s32 $0x1  }
0xbe: {  	_ =	sfence.sel $0xFFFF  }
0xbf: {  	[dreg:$0x0] =	wrdreg $0xFFFFFFFF;
	(pc) =	sbr.abs _section_cstart, $3  }
0xc0: {  	[dreg:$0x1] =	wrdreg $0xFFFFFFFF  }
0xc1: {  	_ =	task.clear_ibuf [dreg:s7], $0x2FFFF;
	_ =	strace $0x9FFFFFFF  }
0xc2: {  	(tm) =	ssettm $0x7FFFFFFF  }
0xc3: {  	_ =	shalt  }
tec
execute0_lowered:
.L_overlay_start_1:
0x0: {  	(tag) =	ssettag $0x1  }
0x1: {  	s3 =	rddreg [dreg:$0x0]  }
0x2: {  	s4 =	rddreg [dreg:$0x1]  }
0x3: {  	s0 =	rddreg [dreg:$0x2]  }
0x4: {  	s2 =	simm.s32 $0x0;
	s1 =	stileid.u32;
	s6 =	srdreg.scid  }
0x5: {  	s10 =	simm.s32 $0x4000;
	s11 =	simm.s32 $0x6000;
	s12 =	simm.s32 $0x1  }
0x6: {  	s13 =	simm.s32 $0x8000;
	s14 =	simm.s32 $0x2;
	s15 =	simm.s32 $0x3  }
0x7: {  	s16 =	simm.s32 $0x4;
	s17 =	simm.s32 $0x80;
	s18 =	simm.s32 $0x400  }
0x8: {  	s19 =	simm.s32 $0x5;
	s20 =	simm.s32 $0x0;
	[smem:$0x7FF] =	sst s2  }
0x9: {  	s5 =	sshll.u32 s1, $0xB;
	s6 =	sand.u32 $0x1, s6;
	s7 =	sshll.u32 s1, $0x1  }
0xa: {  	_ =	strace $0x80000047;
	s5 =	sand.u32 $0x6000, s5;
	s28 =	sor.u32 s6, s7  }
0xb: {  	s26 =	ssub.s32 $0x2, s6;
	s8 =	sadd.s32 s5, s4;
	s7 =	sshll.u32 s28, $0xC  }
0xc: {  	s29 =	sshrl.u32 s26, $0x1;
	s5 =	sshll.u32 s28, $0x4;
	s3 =	sadd.s32 s3, s7  }
0xd: {  	s9 =	ssub.s32 s26, s29;
	s30 =	sand.u32 $0x70, s5;
	s4 =	sadd.s32 $0x400, s3  }
0xe: {  	s5 =	sadd.s32 $0x800, s3;
	s31 =	sadd.s32 s30, s8;
	s6 =	sadd.s32 $0xC00, s3  }
0xf: {  	v0 =	vimm.s32 $0x0;
	v1 =	vimm.s32 $0x1;
	s8 =	smax.u32 s9, $0x1;
	s9 =	simm.s32 $0x2000;
	s7 =	sadd.s32 $0x600, s31  }
.LBB2_1:
0x10: {  	[tilespmem:s2], [sflag:$0x1] =	stream.linear.gather [hbm4b:s3+s2], $0x2000, $0x38;
	[tilespmem:$0xA000] =	vst v63  }
0x11: {  	_ = 	snop  }
0x12: {  	[tilespmem:s9], [sflag:$0x2] =	stream.linear.gather [hbm4b:s4+s2], $0x2000, $0x38;
	[tilespmem:$0xA000] =	vst v63  }
0x13: {  	_ = 	snop  }
0x14: {  	[tilespmem:s10], [sflag:$0x3] =	stream.linear.gather [hbm4b:s5+s2], $0x2000, $0x38;
	[tilespmem:$0xA000] =	vst v63  }
0x15: {  	s21 =	simm.s32 $0x8040  }
0x16: {  	[tilespmem:s11], [sflag:$0x4] =	stream.linear.gather [hbm4b:s6+s2], $0x2000, $0x38;
	[tilespmem:$0xA000] =	vst v63  }
0x17: {  	[tilespmem:s21+$0xFFFFFFC0] =	vst v0  }
0x18: {  	[tilespmem:s21+$0x30] =	vst v0  }
0x19: {  	[tilespmem:s21+$0x20] =	vst v0  }
0x1a: {  	[tilespmem:s21+$0x10] =	vst v0  }
0x1b: {  	[tilespmem:s21+$0x0] =	vst v0  }
0x1c: {  	[tilespmem:s21+$0xFFFFFFF0] =	vst v0  }
0x1d: {  	s22 =	simm.s32 $0x0;
	[tilespmem:s21+$0xFFFFFFE0] =	vst v0  }
.LBB2_2:
0x1e: {  	s22 =	sadd.s32 $0x8, s22;
	[tilespmem:s21+$0xFFFFFFD0] =	vst v0;
	s21 =	sadd.s32 $0x80, s21  }
0x1f: {  	[tilespmem:s21+$0xFFFFFFC0] =	vst v0;
	p0 =	slt.u32 s22, $0x1F8  }
0x20: {  	[tilespmem:s21+$0x30] =	vst v0  }
.Ltmp0:
0x21: {  	[tilespmem:s21+$0x20] =	vst v0;
	(pc) =	sbr.rel @p0 .LBB2_2-.Ltmp0, $4  }
0x22: {  	[tilespmem:s21+$0x10] =	vst v0  }
0x23: {  	[tilespmem:s21+$0x0] =	vst v0  }
0x24: {  	[tilespmem:s21+$0xFFFFFFF0] =	vst v0  }
0x25: {  	[tilespmem:s21+$0xFFFFFFE0] =	vst v0  }
0x26: {  	[tilespmem:s21+$0xFFFFFFD0] =	vst v0  }
0x27: {  	s31 =	simm.s32 $0x0;
	_ =	swait.ge [sflag:s12], $0x2000  }
0x28: {  	s22 =	sand.u32 $0x1800, s31;
	s21 =	sand.u32 $0x380, s31;
	[sflag:s12] =	ssyncset.done $0x0  }
0x29: {  	s21 =	sor.u32 s21, s22;
	[sflag:s12] =	ssyncadd.s32 $0xFFFFE000  }
0x2a: {  	v2 =	vld [tilespmem:s21+$0x470]  }
0x2b: {  	v4 =	vld [tilespmem:s21+$0x0]  }
0x2c: {  	v5 =	vld [tilespmem:s21+$0x10]  }
0x2d: {  	v6 =	vld [tilespmem:s21+$0x20]  }
0x2e: {  	v7 =	vld [tilespmem:s21+$0x30]  }
0x2f: {  	v8 =	vld [tilespmem:s21+$0x40]  }
0x30: {  	v9 =	vld [tilespmem:s21+$0x50]  }
0x31: {  	v10 =	vld [tilespmem:s21+$0x60]  }
0x32: {  	v11 =	vld [tilespmem:s21+$0x70]  }
0x33: {  	v12 =	vld [tilespmem:s21+$0x400]  }
0x34: {  	v13 =	vld [tilespmem:s21+$0x410]  }
0x35: {  	v14 =	vld [tilespmem:s21+$0x420]  }
0x36: {  	v15 =	vld [tilespmem:s21+$0x430]  }
0x37: {  	v16 =	vld [tilespmem:s21+$0x440]  }
0x38: {  	v3 =	vld [tilespmem:s21+$0x450]  }
0x39: {  	[tilespmem:v2+s13+$0x0] =	vst.idx.add.s32.msk $0xffff, v1  }
0x3a: {  	v2 =	vld [tilespmem:s21+$0x460]  }
0x3b: {  	[tilespmem:v4+s13+$0x0] =	vst.idx.add.s32.msk $0xffff, v1  }
0x3c: {  	[tilespmem:v5+s13+$0x0] =	vst.idx.add.s32.msk $0xffff, v1  }
0x3d: {  	[tilespmem:v6+s13+$0x0] =	vst.idx.add.s32.msk $0xffff, v1  }
0x3e: {  	[tilespmem:v7+s13+$0x0] =	vst.idx.add.s32.msk $0xffff, v1  }
0x3f: {  	[tilespmem:v8+s13+$0x0] =	vst.idx.add.s32.msk $0xffff, v1  }
0x40: {  	[tilespmem:v9+s13+$0x0] =	vst.idx.add.s32.msk $0xffff, v1  }
0x41: {  	[tilespmem:v10+s13+$0x0] =	vst.idx.add.s32.msk $0xffff, v1  }
0x42: {  	[tilespmem:v11+s13+$0x0] =	vst.idx.add.s32.msk $0xffff, v1  }
0x43: {  	[tilespmem:v12+s13+$0x0] =	vst.idx.add.s32.msk $0xffff, v1  }
0x44: {  	[tilespmem:v13+s13+$0x0] =	vst.idx.add.s32.msk $0xffff, v1  }
0x45: {  	[tilespmem:v14+s13+$0x0] =	vst.idx.add.s32.msk $0xffff, v1  }
0x46: {  	[tilespmem:v15+s13+$0x0] =	vst.idx.add.s32.msk $0xffff, v1  }
0x47: {  	s23 =	simm.s32 $0x20;
	s22 =	simm.s32 $0x800;
	s21 =	simm.s32 $0x0;
	[tilespmem:v16+s13+$0x0] =	vst.idx.add.s32.msk $0xffff, v1  }
.LBB2_4:
0x48: {  	s24 =	sand.u32 $0x1800, s22;
	s25 =	sand.u32 $0x380, s23;
	s21 =	sadd.s32 $0x10, s21;
	[tilespmem:v3+s13+$0x0] =	vst.idx.add.s32.msk $0xffff, v1  }
0x49: {  	s24 =	sor.u32 s25, s24;
	p0 =	slt.u32 s21, $0x1F0;
	[tilespmem:v2+s13+$0x0] =	vst.idx.add.s32.msk $0xffff, v1  }
0x4a: {  	v2 =	vld [tilespmem:s24+$0x470]  }
0x4b: {  	v4 =	vld [tilespmem:s24+$0x0]  }
0x4c: {  	v5 =	vld [tilespmem:s24+$0x10]  }
0x4d: {  	v6 =	vld [tilespmem:s24+$0x20]  }
0x4e: {  	v7 =	vld [tilespmem:s24+$0x30]  }
0x4f: {  	v8 =	vld [tilespmem:s24+$0x40]  }
0x50: {  	v9 =	vld [tilespmem:s24+$0x50]  }
0x51: {  	v10 =	vld [tilespmem:s24+$0x60]  }
0x52: {  	[tilespmem:v2+s13+$0x0] =	vst.idx.add.s32.msk $0xffff, v1  }
0x53: {  	v11 =	vld [tilespmem:s24+$0x70]  }
0x54: {  	v12 =	vld [tilespmem:s24+$0x400]  }
0x55: {  	v13 =	vld [tilespmem:s24+$0x410]  }
0x56: {  	v14 =	vld [tilespmem:s24+$0x420]  }
0x57: {  	v15 =	vld [tilespmem:s24+$0x430]  }
0x58: {  	v16 =	vld [tilespmem:s24+$0x440]  }
0x59: {  	v3 =	vld [tilespmem:s24+$0x450]  }
0x5a: {  	v2 =	vld [tilespmem:s24+$0x460]  }
0x5b: {  	[tilespmem:v4+s13+$0x0] =	vst.idx.add.s32.msk $0xffff, v1  }
0x5c: {  	[tilespmem:v5+s13+$0x0] =	vst.idx.add.s32.msk $0xffff, v1  }
0x5d: {  	[tilespmem:v6+s13+$0x0] =	vst.idx.add.s32.msk $0xffff, v1  }
0x5e: {  	[tilespmem:v7+s13+$0x0] =	vst.idx.add.s32.msk $0xffff, v1  }
0x5f: {  	[tilespmem:v8+s13+$0x0] =	vst.idx.add.s32.msk $0xffff, v1  }
0x60: {  	[tilespmem:v9+s13+$0x0] =	vst.idx.add.s32.msk $0xffff, v1  }
0x61: {  	[tilespmem:v10+s13+$0x0] =	vst.idx.add.s32.msk $0xffff, v1  }
0x62: {  	[tilespmem:v11+s13+$0x0] =	vst.idx.add.s32.msk $0xffff, v1  }
.Ltmp1:
0x63: {  	[tilespmem:v12+s13+$0x0] =	vst.idx.add.s32.msk $0xffff, v1;
	(pc) =	sbr.rel @p0 .LBB2_4-.Ltmp1, $4  }
0x64: {  	[tilespmem:v13+s13+$0x0] =	vst.idx.add.s32.msk $0xffff, v1  }
0x65: {  	[tilespmem:v14+s13+$0x0] =	vst.idx.add.s32.msk $0xffff, v1  }
0x66: {  	[tilespmem:v15+s13+$0x0] =	vst.idx.add.s32.msk $0xffff, v1  }
0x67: {  	s22 =	sadd.s32 $0x800, s22;
	s23 =	sadd.s32 $0x20, s23;
	[tilespmem:v16+s13+$0x0] =	vst.idx.add.s32.msk $0xffff, v1  }
0x68: {  	_ =	sdelay $0x3  }
0x69: {  	[tilespmem:v3+s13+$0x0] =	vst.idx.add.s32.msk $0xffff, v1  }
0x6a: {  	[tilespmem:v2+s13+$0x0] =	vst.idx.add.s32.msk $0xffff, v1;
	s21 =	simm.s32 $0x10000;
	s22 =	simm.s32 $0x2000;
	s24 =	simm.s32 $0x400  }
0x6b: {  	_ =	swait.ge [sflag:s14], $0x2000;
	s22 =	sand.u32 $0x2000, s22;
	s23 =	sand.u32 $0x1800, s21  }
0x6c: {  	s24 =	sand.u32 $0x380, s24;
	[sflag:s14] =	ssyncset.done $0x0;
	s22 =	sor.u32 s23, s22  }
0x6d: {  	[sflag:s14] =	ssyncadd.s32 $0xFFFFE000;
	s22 =	sor.u32 s24, s22  }
0x6e: {  	v2 =	vld [tilespmem:s22+$0x470]  }
0x6f: {  	v7 =	vld [tilespmem:s22+$0x0]  }
0x70: {  	v8 =	vld [tilespmem:s22+$0x10]  }
0x71: {  	v9 =	vld [tilespmem:s22+$0x20]  }
0x72: {  	v10 =	vld [tilespmem:s22+$0x30]  }
0x73: {  	v11 =	vld [tilespmem:s22+$0x40]  }
0x74: {  	v12 =	vld [tilespmem:s22+$0x50]  }
0x75: {  	v13 =	vld [tilespmem:s22+$0x60]  }
0x76: {  	v14 =	vld [tilespmem:s22+$0x70]  }
0x77: {  	v15 =	vld [tilespmem:s22+$0x400]  }
0x78: {  	v16 =	vld [tilespmem:s22+$0x410]  }
0x79: {  	v6 =	vld [tilespmem:s22+$0x420]  }
0x7a: {  	v5 =	vld [tilespmem:s22+$0x430]  }
0x7b: {  	v4 =	vld [tilespmem:s22+$0x440]  }
0x7c: {  	v3 =	vld [tilespmem:s22+$0x450]  }
0x7d: {  	[tilespmem:v2+s13+$0x0] =	vst.idx.add.s32.msk $0xffff, v1  }
0x7e: {  	v2 =	vld [tilespmem:s22+$0x460]  }
0x7f: {  	[tilespmem:v7+s13+$0x0] =	vst.idx.add.s32.msk $0xffff, v1  }
0x80: {  	[tilespmem:v8+s13+$0x0] =	vst.idx.add.s32.msk $0xffff, v1  }
0x81: {  	[tilespmem:v9+s13+$0x0] =	vst.idx.add.s32.msk $0xffff, v1  }
0x82: {  	[tilespmem:v10+s13+$0x0] =	vst.idx.add.s32.msk $0xffff, v1  }
0x83: {  	[tilespmem:v11+s13+$0x0] =	vst.idx.add.s32.msk $0xffff, v1  }
0x84: {  	[tilespmem:v12+s13+$0x0] =	vst.idx.add.s32.msk $0xffff, v1  }
0x85: {  	[tilespmem:v13+s13+$0x0] =	vst.idx.add.s32.msk $0xffff, v1  }
0x86: {  	[tilespmem:v14+s13+$0x0] =	vst.idx.add.s32.msk $0xffff, v1  }
0x87: {  	[tilespmem:v15+s13+$0x0] =	vst.idx.add.s32.msk $0xffff, v1  }
0x88: {  	s22 =	simm.s32 $0x200;
	[tilespmem:v16+s13+$0x0] =	vst.idx.add.s32.msk $0xffff, v1  }
.LBB2_6:
0x89: {  	s22 =	sadd.s32 $0x10, s22;
	[tilespmem:v6+s13+$0x0] =	vst.idx.add.s32.msk $0xffff, v1  }
0x8a: {  	s21 =	sadd.s32 $0x800, s21;
	s23 =	sshll.u32 s22, $0x4;
	p0 =	slt.u32 s22, $0x3F0;
	[tilespmem:v5+s13+$0x0] =	vst.idx.add.s32.msk $0xffff, v1  }
0x8b: {  	s24 =	sand.u32 $0x1800, s21;
	s25 =	sshll.u32 s22, $0x1;
	s23 =	sand.u32 $0x2000, s23;
	[tilespmem:v4+s13+$0x0] =	vst.idx.add.s32.msk $0xffff, v1  }
0x8c: {  	s25 =	sand.u32 $0x380, s25;
	s23 =	sor.u32 s24, s23;
	[tilespmem:v3+s13+$0x0] =	vst.idx.add.s32.msk $0xffff, v1  }
0x8d: {  	s23 =	sor.u32 s25, s23;
	[tilespmem:v2+s13+$0x0] =	vst.idx.add.s32.msk $0xffff, v1  }
0x8e: {  	v2 =	vld [tilespmem:s23+$0x470]  }
0x8f: {  	v7 =	vld [tilespmem:s23+$0x0]  }
0x90: {  	v8 =	vld [tilespmem:s23+$0x10]  }
0x91: {  	v9 =	vld [tilespmem:s23+$0x20]  }
0x92: {  	v10 =	vld [tilespmem:s23+$0x30]  }
0x93: {  	v11 =	vld [tilespmem:s23+$0x40]  }
0x94: {  	v12 =	vld [tilespmem:s23+$0x50]  }
0x95: {  	v13 =	vld [tilespmem:s23+$0x60]  }
0x96: {  	[tilespmem:v2+s13+$0x0] =	vst.idx.add.s32.msk $0xffff, v1  }
0x97: {  	v14 =	vld [tilespmem:s23+$0x70]  }
0x98: {  	v15 =	vld [tilespmem:s23+$0x400]  }
0x99: {  	v16 =	vld [tilespmem:s23+$0x410]  }
0x9a: {  	v6 =	vld [tilespmem:s23+$0x420]  }
0x9b: {  	v5 =	vld [tilespmem:s23+$0x430]  }
0x9c: {  	v4 =	vld [tilespmem:s23+$0x440]  }
0x9d: {  	v3 =	vld [tilespmem:s23+$0x450]  }
0x9e: {  	v2 =	vld [tilespmem:s23+$0x460]  }
0x9f: {  	[tilespmem:v7+s13+$0x0] =	vst.idx.add.s32.msk $0xffff, v1  }
0xa0: {  	[tilespmem:v8+s13+$0x0] =	vst.idx.add.s32.msk $0xffff, v1  }
0xa1: {  	[tilespmem:v9+s13+$0x0] =	vst.idx.add.s32.msk $0xffff, v1  }
0xa2: {  	[tilespmem:v10+s13+$0x0] =	vst.idx.add.s32.msk $0xffff, v1  }
0xa3: {  	[tilespmem:v11+s13+$0x0] =	vst.idx.add.s32.msk $0xffff, v1  }
.Ltmp2:
0xa4: {  	[tilespmem:v12+s13+$0x0] =	vst.idx.add.s32.msk $0xffff, v1;
	(pc) =	sbr.rel @p0 .LBB2_6-.Ltmp2, $4  }
0xa5: {  	[tilespmem:v13+s13+$0x0] =	vst.idx.add.s32.msk $0xffff, v1  }
0xa6: {  	[tilespmem:v14+s13+$0x0] =	vst.idx.add.s32.msk $0xffff, v1  }
0xa7: {  	[tilespmem:v15+s13+$0x0] =	vst.idx.add.s32.msk $0xffff, v1  }
0xa8: {  	[tilespmem:v16+s13+$0x0] =	vst.idx.add.s32.msk $0xffff, v1  }
0xa9: {  	_ =	sdelay $0x3  }
0xaa: {  	[tilespmem:v6+s13+$0x0] =	vst.idx.add.s32.msk $0xffff, v1  }
0xab: {  	[tilespmem:v5+s13+$0x0] =	vst.idx.add.s32.msk $0xffff, v1  }
0xac: {  	[tilespmem:v4+s13+$0x0] =	vst.idx.add.s32.msk $0xffff, v1  }
0xad: {  	[tilespmem:v3+s13+$0x0] =	vst.idx.add.s32.msk $0xffff, v1  }
0xae: {  	[tilespmem:v2+s13+$0x0] =	vst.idx.add.s32.msk $0xffff, v1;
	s21 =	simm.s32 $0x20000;
	s22 =	simm.s32 $0x4000;
	s24 =	simm.s32 $0x800  }
0xaf: {  	_ =	swait.ge [sflag:s15], $0x2000;
	s22 =	sand.u32 $0x6000, s22;
	s23 =	sand.u32 $0x1800, s21  }
0xb0: {  	s24 =	sand.u32 $0x380, s24;
	[sflag:s15] =	ssyncset.done $0x0;
	s22 =	sor.u32 s23, s22  }
0xb1: {  	[sflag:s15] =	ssyncadd.s32 $0xFFFFE000;
	s22 =	sor.u32 s24, s22  }
0xb2: {  	v2 =	vld [tilespmem:s22+$0x470]  }
0xb3: {  	v7 =	vld [tilespmem:s22+$0x0]  }
0xb4: {  	v8 =	vld [tilespmem:s22+$0x10]  }
0xb5: {  	v9 =	vld [tilespmem:s22+$0x20]  }
0xb6: {  	v10 =	vld [tilespmem:s22+$0x30]  }
0xb7: {  	v11 =	vld [tilespmem:s22+$0x40]  }
0xb8: {  	v12 =	vld [tilespmem:s22+$0x50]  }
0xb9: {  	v13 =	vld [tilespmem:s22+$0x60]  }
0xba: {  	v14 =	vld [tilespmem:s22+$0x70]  }
0xbb: {  	v15 =	vld [tilespmem:s22+$0x400]  }
0xbc: {  	v16 =	vld [tilespmem:s22+$0x410]  }
0xbd: {  	v6 =	vld [tilespmem:s22+$0x420]  }
0xbe: {  	v5 =	vld [tilespmem:s22+$0x430]  }
0xbf: {  	v4 =	vld [tilespmem:s22+$0x440]  }
0xc0: {  	v3 =	vld [tilespmem:s22+$0x450]  }
0xc1: {  	[tilespmem:v2+s13+$0x0] =	vst.idx.add.s32.msk $0xffff, v1  }
0xc2: {  	v2 =	vld [tilespmem:s22+$0x460]  }
0xc3: {  	[tilespmem:v7+s13+$0x0] =	vst.idx.add.s32.msk $0xffff, v1  }
0xc4: {  	[tilespmem:v8+s13+$0x0] =	vst.idx.add.s32.msk $0xffff, v1  }
0xc5: {  	[tilespmem:v9+s13+$0x0] =	vst.idx.add.s32.msk $0xffff, v1  }
0xc6: {  	[tilespmem:v10+s13+$0x0] =	vst.idx.add.s32.msk $0xffff, v1  }
0xc7: {  	[tilespmem:v11+s13+$0x0] =	vst.idx.add.s32.msk $0xffff, v1  }
0xc8: {  	[tilespmem:v12+s13+$0x0] =	vst.idx.add.s32.msk $0xffff, v1  }
0xc9: {  	[tilespmem:v13+s13+$0x0] =	vst.idx.add.s32.msk $0xffff, v1  }
0xca: {  	[tilespmem:v14+s13+$0x0] =	vst.idx.add.s32.msk $0xffff, v1  }
0xcb: {  	[tilespmem:v15+s13+$0x0] =	vst.idx.add.s32.msk $0xffff, v1  }
0xcc: {  	s22 =	simm.s32 $0x400;
	[tilespmem:v16+s13+$0x0] =	vst.idx.add.s32.msk $0xffff, v1  }
.LBB2_8:
0xcd: {  	s22 =	sadd.s32 $0x10, s22;
	[tilespmem:v6+s13+$0x0] =	vst.idx.add.s32.msk $0xffff, v1  }
0xce: {  	s21 =	sadd.s32 $0x800, s21;
	s23 =	sshll.u32 s22, $0x4;
	p0 =	slt.u32 s22, $0x5F0;
	[tilespmem:v5+s13+$0x0] =	vst.idx.add.s32.msk $0xffff, v1  }
0xcf: {  	s24 =	sand.u32 $0x1800, s21;
	s25 =	sshll.u32 s22, $0x1;
	s23 =	sand.u32 $0x6000, s23;
	[tilespmem:v4+s13+$0x0] =	vst.idx.add.s32.msk $0xffff, v1  }
0xd0: {  	s25 =	sand.u32 $0x380, s25;
	s23 =	sor.u32 s24, s23;
	[tilespmem:v3+s13+$0x0] =	vst.idx.add.s32.msk $0xffff, v1  }
0xd1: {  	s23 =	sor.u32 s25, s23;
	[tilespmem:v2+s13+$0x0] =	vst.idx.add.s32.msk $0xffff, v1  }
0xd2: {  	v2 =	vld [tilespmem:s23+$0x470]  }
0xd3: {  	v7 =	vld [tilespmem:s23+$0x0]  }
0xd4: {  	v8 =	vld [tilespmem:s23+$0x10]  }
0xd5: {  	v9 =	vld [tilespmem:s23+$0x20]  }
0xd6: {  	v10 =	vld [tilespmem:s23+$0x30]  }
0xd7: {  	v11 =	vld [tilespmem:s23+$0x40]  }
0xd8: {  	v12 =	vld [tilespmem:s23+$0x50]  }
0xd9: {  	v13 =	vld [tilespmem:s23+$0x60]  }
0xda: {  	[tilespmem:v2+s13+$0x0] =	vst.idx.add.s32.msk $0xffff, v1  }
0xdb: {  	v14 =	vld [tilespmem:s23+$0x70]  }
0xdc: {  	v15 =	vld [tilespmem:s23+$0x400]  }
0xdd: {  	v16 =	vld [tilespmem:s23+$0x410]  }
0xde: {  	v6 =	vld [tilespmem:s23+$0x420]  }
0xdf: {  	v5 =	vld [tilespmem:s23+$0x430]  }
0xe0: {  	v4 =	vld [tilespmem:s23+$0x440]  }
0xe1: {  	v3 =	vld [tilespmem:s23+$0x450]  }
0xe2: {  	v2 =	vld [tilespmem:s23+$0x460]  }
0xe3: {  	[tilespmem:v7+s13+$0x0] =	vst.idx.add.s32.msk $0xffff, v1  }
0xe4: {  	[tilespmem:v8+s13+$0x0] =	vst.idx.add.s32.msk $0xffff, v1  }
0xe5: {  	[tilespmem:v9+s13+$0x0] =	vst.idx.add.s32.msk $0xffff, v1  }
0xe6: {  	[tilespmem:v10+s13+$0x0] =	vst.idx.add.s32.msk $0xffff, v1  }
0xe7: {  	[tilespmem:v11+s13+$0x0] =	vst.idx.add.s32.msk $0xffff, v1  }
.Ltmp3:
0xe8: {  	[tilespmem:v12+s13+$0x0] =	vst.idx.add.s32.msk $0xffff, v1;
	(pc) =	sbr.rel @p0 .LBB2_8-.Ltmp3, $4  }
0xe9: {  	[tilespmem:v13+s13+$0x0] =	vst.idx.add.s32.msk $0xffff, v1  }
0xea: {  	[tilespmem:v14+s13+$0x0] =	vst.idx.add.s32.msk $0xffff, v1  }
0xeb: {  	[tilespmem:v15+s13+$0x0] =	vst.idx.add.s32.msk $0xffff, v1  }
0xec: {  	[tilespmem:v16+s13+$0x0] =	vst.idx.add.s32.msk $0xffff, v1  }
0xed: {  	_ =	sdelay $0x3  }
0xee: {  	[tilespmem:v6+s13+$0x0] =	vst.idx.add.s32.msk $0xffff, v1  }
0xef: {  	[tilespmem:v5+s13+$0x0] =	vst.idx.add.s32.msk $0xffff, v1  }
0xf0: {  	[tilespmem:v4+s13+$0x0] =	vst.idx.add.s32.msk $0xffff, v1  }
0xf1: {  	[tilespmem:v3+s13+$0x0] =	vst.idx.add.s32.msk $0xffff, v1  }
0xf2: {  	[tilespmem:v2+s13+$0x0] =	vst.idx.add.s32.msk $0xffff, v1;
	s21 =	simm.s32 $0x30000;
	s22 =	simm.s32 $0x6000;
	s24 =	simm.s32 $0xC00  }
0xf3: {  	_ =	swait.ge [sflag:s16], $0x2000;
	s22 =	sand.u32 $0x6000, s22;
	s23 =	sand.u32 $0x1800, s21  }
0xf4: {  	s24 =	sand.u32 $0x380, s24;
	[sflag:s16] =	ssyncset.done $0x0;
	s22 =	sor.u32 s23, s22  }
0xf5: {  	[sflag:s16] =	ssyncadd.s32 $0xFFFFE000;
	s22 =	sor.u32 s24, s22  }
0xf6: {  	v2 =	vld [tilespmem:s22+$0x470]  }
0xf7: {  	v7 =	vld [tilespmem:s22+$0x0]  }
0xf8: {  	v8 =	vld [tilespmem:s22+$0x10]  }
0xf9: {  	v9 =	vld [tilespmem:s22+$0x20]  }
0xfa: {  	v10 =	vld [tilespmem:s22+$0x30]  }
0xfb: {  	v11 =	vld [tilespmem:s22+$0x40]  }
0xfc: {  	v12 =	vld [tilespmem:s22+$0x50]  }
0xfd: {  	v13 =	vld [tilespmem:s22+$0x60]  }
0xfe: {  	v14 =	vld [tilespmem:s22+$0x70]  }
0xff: {  	v15 =	vld [tilespmem:s22+$0x400]  }
0x100: {  	v16 =	vld [tilespmem:s22+$0x410]  }
0x101: {  	v6 =	vld [tilespmem:s22+$0x420]  }
0x102: {  	v5 =	vld [tilespmem:s22+$0x430]  }
0x103: {  	v4 =	vld [tilespmem:s22+$0x440]  }
0x104: {  	v3 =	vld [tilespmem:s22+$0x450]  }
0x105: {  	[tilespmem:v2+s13+$0x0] =	vst.idx.add.s32.msk $0xffff, v1  }
0x106: {  	v2 =	vld [tilespmem:s22+$0x460]  }
0x107: {  	[tilespmem:v7+s13+$0x0] =	vst.idx.add.s32.msk $0xffff, v1  }
0x108: {  	[tilespmem:v8+s13+$0x0] =	vst.idx.add.s32.msk $0xffff, v1  }
0x109: {  	[tilespmem:v9+s13+$0x0] =	vst.idx.add.s32.msk $0xffff, v1  }
0x10a: {  	[tilespmem:v10+s13+$0x0] =	vst.idx.add.s32.msk $0xffff, v1  }
0x10b: {  	[tilespmem:v11+s13+$0x0] =	vst.idx.add.s32.msk $0xffff, v1  }
0x10c: {  	[tilespmem:v12+s13+$0x0] =	vst.idx.add.s32.msk $0xffff, v1  }
0x10d: {  	[tilespmem:v13+s13+$0x0] =	vst.idx.add.s32.msk $0xffff, v1  }
0x10e: {  	[tilespmem:v14+s13+$0x0] =	vst.idx.add.s32.msk $0xffff, v1  }
0x10f: {  	[tilespmem:v15+s13+$0x0] =	vst.idx.add.s32.msk $0xffff, v1  }
0x110: {  	s22 =	simm.s32 $0x600;
	[tilespmem:v16+s13+$0x0] =	vst.idx.add.s32.msk $0xffff, v1  }
.LBB2_10:
0x111: {  	s22 =	sadd.s32 $0x10, s22;
	[tilespmem:v6+s13+$0x0] =	vst.idx.add.s32.msk $0xffff, v1  }
0x112: {  	s21 =	sadd.s32 $0x800, s21;
	s23 =	sshll.u32 s22, $0x4;
	p0 =	slt.u32 s22, $0x7F0;
	[tilespmem:v5+s13+$0x0] =	vst.idx.add.s32.msk $0xffff, v1  }
0x113: {  	s24 =	sand.u32 $0x1800, s21;
	s25 =	sshll.u32 s22, $0x1;
	s23 =	sand.u32 $0x6000, s23;
	[tilespmem:v4+s13+$0x0] =	vst.idx.add.s32.msk $0xffff, v1  }
0x114: {  	s25 =	sand.u32 $0x380, s25;
	s23 =	sor.u32 s24, s23;
	[tilespmem:v3+s13+$0x0] =	vst.idx.add.s32.msk $0xffff, v1  }
0x115: {  	s23 =	sor.u32 s25, s23;
	[tilespmem:v2+s13+$0x0] =	vst.idx.add.s32.msk $0xffff, v1  }
0x116: {  	v2 =	vld [tilespmem:s23+$0x470]  }
0x117: {  	v7 =	vld [tilespmem:s23+$0x0]  }
0x118: {  	v8 =	vld [tilespmem:s23+$0x10]  }
0x119: {  	v9 =	vld [tilespmem:s23+$0x20]  }
0x11a: {  	v10 =	vld [tilespmem:s23+$0x30]  }
0x11b: {  	v11 =	vld [tilespmem:s23+$0x40]  }
0x11c: {  	v12 =	vld [tilespmem:s23+$0x50]  }
0x11d: {  	v13 =	vld [tilespmem:s23+$0x60]  }
0x11e: {  	[tilespmem:v2+s13+$0x0] =	vst.idx.add.s32.msk $0xffff, v1  }
0x11f: {  	v14 =	vld [tilespmem:s23+$0x70]  }
0x120: {  	v15 =	vld [tilespmem:s23+$0x400]  }
0x121: {  	v16 =	vld [tilespmem:s23+$0x410]  }
0x122: {  	v6 =	vld [tilespmem:s23+$0x420]  }
0x123: {  	v5 =	vld [tilespmem:s23+$0x430]  }
0x124: {  	v4 =	vld [tilespmem:s23+$0x440]  }
0x125: {  	v3 =	vld [tilespmem:s23+$0x450]  }
0x126: {  	v2 =	vld [tilespmem:s23+$0x460]  }
0x127: {  	[tilespmem:v7+s13+$0x0] =	vst.idx.add.s32.msk $0xffff, v1  }
0x128: {  	[tilespmem:v8+s13+$0x0] =	vst.idx.add.s32.msk $0xffff, v1  }
0x129: {  	[tilespmem:v9+s13+$0x0] =	vst.idx.add.s32.msk $0xffff, v1  }
0x12a: {  	[tilespmem:v10+s13+$0x0] =	vst.idx.add.s32.msk $0xffff, v1  }
0x12b: {  	[tilespmem:v11+s13+$0x0] =	vst.idx.add.s32.msk $0xffff, v1  }
.Ltmp4:
0x12c: {  	[tilespmem:v12+s13+$0x0] =	vst.idx.add.s32.msk $0xffff, v1;
	(pc) =	sbr.rel @p0 .LBB2_10-.Ltmp4, $4  }
0x12d: {  	[tilespmem:v13+s13+$0x0] =	vst.idx.add.s32.msk $0xffff, v1  }
0x12e: {  	[tilespmem:v14+s13+$0x0] =	vst.idx.add.s32.msk $0xffff, v1  }
0x12f: {  	[tilespmem:v15+s13+$0x0] =	vst.idx.add.s32.msk $0xffff, v1  }
0x130: {  	[tilespmem:v16+s13+$0x0] =	vst.idx.add.s32.msk $0xffff, v1  }
0x131: {  	_ =	sdelay $0x3  }
0x132: {  	[tilespmem:v6+s13+$0x0] =	vst.idx.add.s32.msk $0xffff, v1  }
0x133: {  	[tilespmem:v5+s13+$0x0] =	vst.idx.add.s32.msk $0xffff, v1  }
0x134: {  	[tilespmem:v4+s13+$0x0] =	vst.idx.add.s32.msk $0xffff, v1;
	s20 =	sadd.s32 $0x1, s20  }
0x135: {  	[tilespmem:v3+s13+$0x0] =	vst.idx.add.s32.msk $0xffff, v1;
	p0 =	sne.s32 s20, s8  }
.Ltmp5:
0x136: {  	[tilespmem:v2+s13+$0x0] =	vst.idx.add.s32.msk $0xffff, v1;
	(pc) =	sbr.rel @p0 .LBB2_1-.Ltmp5, $4  }
0x137: {  	[hbm4b:s7+s17] =	stream.strided.scatter [tilespmem:s13], [sflag:$0x5], $0x2000, s18, s17, $0x38;
	[tilespmem:$0xA000] =	vst v63  }
0x138: {  	_ =	swait.ge [sflag:s19], $0x2000  }
0x139: {  	[sflag:s19] =	ssyncset.done $0x0  }
0x13a: {  	[sflag:s19] =	ssyncadd.s32 $0xFFFFE000  }
0x13b: {  	_ =	sfence.sel $0x180000  }
0x13c: {  	[bflag:$0x0] =	sbarrier.arrive $0xFFFF  }
0x13d: {  	p0 =	sne.s32 s1, $0x0;
	_ =	strace $0x90000047  }
0x13e: {  	s0 =	sadd.s32 @!p0 $0x100000, s0;
	[bflag:$0x2] =	sbarrier.arrive $0xFFFF  }
0x13f: {  	[sflag:s0] =	ssyncadd.tile.s32 @!p0 $0x1;
	_ =	shalt  }
.Lfunc_end2:
_tile_overlayer_lowered:
.L_overlay_start_2:
0x140: {  	(tag) =	ssettag $0x2  }
0x141: {  	s0 =	rddreg [dreg:$0x0];
	s2 =	stileid.u32  }
0x142: {  	s1 =	rddreg [dreg:$0x1];
	p0 =	sne.s32 s2, $0x0  }
0x143: {  	s3 =	rddreg [dreg:$0x2];
	[bflag:$0x3] =	sbarrier.arrive $0xFFFF;
	s2 =	simm.s32 @!p0 $0x1C05  }
0x144: {  	[timem:s3], [sflag:s2] =	dma.local @!p0 [hbm:s0], s1  }
0x145: {  	s0 =	simm.s32 @!p0 $0x5  }
0x146: {  	_ =	swait.ge @!p0 [sflag:s0], s1  }
0x147: {  	s1 =	ssub.s32 @!p0 $0x0, s1;
	[sflag:s0] =	ssyncset.done @!p0 $0x0  }
0x148: {  	[sflag:s0] =	ssyncadd.s32 @!p0 s1  }
0x149: {  	[bflag:$0x3] =	sbarrier.arrive $0xFFFF  }
0x14a: {  	_ =	shalt  }

</sc_bundles>
